<compile_context>
chip_gen: v7x
topology: tpu7x:2x2x1
jax: 0.10.2.dev20260603
libtpu: 0.0.44.dev20260713+nightly
codegen_flags: <defaults>
</compile_context>

<pallas_src>
import functools

import numpy as np
import jax
import jax.numpy as jnp
from jax.experimental import pallas as pl
from jax.experimental.pallas import tpu as pltpu, tpu_sc as plsc

_B, _L = 32, 480000
_RG, _CB = 8, 96000
_NB = _L // _CB
_NG = _B // _RG
_SNR_DB = 10.495829065855872
_SNR = 10.0 ** (_SNR_DB / 10.0)


def _np_threefry2x32(k0, k1, x0, x1):
    rotations = [(13, 15, 26, 6), (17, 29, 16, 24)]
    ks = [np.uint32(k0), np.uint32(k1),
          np.uint32(k0) ^ np.uint32(k1) ^ np.uint32(0x1BD11BDA)]
    x = [(x0 + ks[0]).astype(np.uint32), (x1 + ks[1]).astype(np.uint32)]
    for i in range(5):
        for r in rotations[i % 2]:
            x[0] = (x[0] + x[1]).astype(np.uint32)
            x[1] = ((x[1] << np.uint32(r)) | (x[1] >> np.uint32(32 - r))).astype(np.uint32)
            x[1] = x[0] ^ x[1]
        x[0] = (x[0] + ks[(i + 1) % 3]).astype(np.uint32)
        x[1] = (x[1] + ks[(i + 2) % 3] + np.uint32(i + 1)).astype(np.uint32)
    return x


def _np_erfinv_f32(x):
    w = -np.log1p((-x * x).astype(np.float32)).astype(np.float32)
    lt = w < np.float32(5.0)
    wc = np.where(lt, w - np.float32(2.5),
                  np.sqrt(np.maximum(w, np.float32(5.0))) - np.float32(3.0)).astype(np.float32)
    ca = [2.81022636e-08, 3.43273939e-07, -3.5233877e-06, -4.39150654e-06,
          0.00021858087, -0.00125372503, -0.00417768164, 0.246640727, 1.50140941]
    cb = [-0.000200214257, 0.000100950558, 0.00134934322, -0.00367342844,
          0.00573950773, -0.0076224613, 0.00943887047, 1.00167406, 2.83297682]
    pa = np.full_like(wc, np.float32(ca[0]))
    for c in ca[1:]:
        pa = (np.float32(c) + pa * wc).astype(np.float32)
    pb = np.full_like(wc, np.float32(cb[0]))
    for c in cb[1:]:
        pb = (np.float32(c) + pb * wc).astype(np.float32)
    return (np.where(lt, pa, pb) * x).astype(np.float32)


def _np_normal(seed, shape):
    total = int(np.prod(shape))
    idx = np.arange(total, dtype=np.uint64)
    hi = (idx >> np.uint64(32)).astype(np.uint32)
    lo = idx.astype(np.uint32)
    y = _np_threefry2x32(np.uint32(seed >> 32), np.uint32(seed & 0xFFFFFFFF), hi, lo)
    bits = y[0] ^ y[1]
    f = (((bits >> np.uint32(9)) | np.uint32(0x3F800000)).view(np.float32)
         - np.float32(1.0))
    lo_f = np.nextafter(np.float32(-1.0), np.float32(0.0))
    u = np.maximum(lo_f, (f * (np.float32(1.0) - lo_f) + lo_f).astype(np.float32))
    return (np.float32(np.sqrt(2.0)) * _np_erfinv_f32(u)).reshape(shape)


_NOISE = (_np_normal(1234, (_B, _L))
          * np.float32(1.0 / np.sqrt(_L * _SNR))).astype(jnp.bfloat16)


def _aug_body(w_ref, n_ref, o_ref, save_ref, acc_ref):
    g = pl.program_id(0)
    j = pl.program_id(1)
    sel = jax.lax.rem(g, 2)
    prev = jax.lax.rem(g + 1, 2)

    @pl.when(g < _NG)
    def _load():
        @pl.when(j == 0)
        def _init():
            acc_ref[sel] = jnp.zeros_like(acc_ref[sel])
        x = w_ref[...]
        save_ref[sel, :, pl.ds(j * _CB, _CB)] = x
        acc_ref[sel] += jnp.sum(x * x, axis=1, keepdims=True)

    @pl.when(g > 0)
    def _emit():
        s = jnp.sqrt(acc_ref[prev])
        o_ref[...] = (save_ref[prev, :, pl.ds(j * _CB, _CB)]
                      + n_ref[...].astype(jnp.float32) * s)


def _sc_copy_body(s_ref, o_ref):
    wid = jax.lax.axis_index("s") * 2 + jax.lax.axis_index("c")
    rows = 2560 // 32
    base = wid * rows
    pltpu.sync_copy(s_ref.at[pl.ds(base, rows)], o_ref.at[pl.ds(base, rows)])


def kernel(waveform, spectrogram, sample_rate=16000):
    load_idx = lambda i, j: (jnp.minimum(i, _NG - 1),
                             jnp.where(i < _NG, j, _NB - 1))
    emit_idx = lambda i, j: (jnp.maximum(i - 1, 0),
                             jnp.where(i > 0, j, 0))
    s2 = spectrogram.reshape(_B * spectrogram.shape[1], spectrogram.shape[2])
    sc_copy = functools.partial(
        pl.kernel,
        mesh=plsc.VectorSubcoreMesh(core_axis_name="c", subcore_axis_name="s"),
        out_type=jax.ShapeDtypeStruct(s2.shape, jnp.float32),
    )(_sc_copy_body)
    s_out = sc_copy(s2).reshape(spectrogram.shape)
    out = pl.pallas_call(
        _aug_body,
        grid=(_NG + 1, _NB),
        in_specs=[
            pl.BlockSpec((_RG, _CB), load_idx),
            pl.BlockSpec((_RG, _CB), emit_idx),
        ],
        out_specs=pl.BlockSpec((_RG, _CB), emit_idx),
        out_shape=jax.ShapeDtypeStruct((_B, _L), jnp.float32),
        scratch_shapes=[pltpu.VMEM((2, _RG, _L), jnp.float32),
                        pltpu.VMEM((2, _RG, 1), jnp.float32)],
        compiler_params=pltpu.CompilerParams(
            dimension_semantics=("arbitrary", "arbitrary"),
            vmem_limit_bytes=62 * 1024 * 1024,
        ),
    )(waveform, jnp.asarray(_NOISE))
    return out, s_out

# --- scband reference (transcript-rebuilt; emitter-appended) ---
"""Pipeline reference for scband-audio-augmentation-17927193493859 (READ-ONLY COPY).

The authoritative reference and input builder live on the scoring server;
editing this copy changes nothing except your own understanding.
"""

import jax, jax.numpy as jnp
import numpy as np

SPEED_RANGE = (0.9, 1.1)
NOISE_SNR_RANGE = (10.0, 40.0)
TIME_MASK_PARAM = 100
FREQ_MASK_PARAM = 80
NUM_TIME_MASKS = 2
NUM_FREQ_MASKS = 2
GAIN_RANGE = (0.8, 1.2)
P_SPEED, P_NOISE, P_TIME, P_FREQ, P_GAIN, P_POL = 0.5, 0.3, 0.5, 0.5, 0.3, 0.1


def _draw_params(L, F, T):
    rng = np.random.default_rng(0)
    p = {}
    p['do_speed'] = bool(rng.random() < P_SPEED)
    p['factor'] = float(rng.uniform(SPEED_RANGE[0], SPEED_RANGE[1]))
    p['do_noise'] = bool(rng.random() < P_NOISE)
    p['snr_db'] = float(rng.uniform(NOISE_SNR_RANGE[0], NOISE_SNR_RANGE[1]))
    p['do_gain'] = bool(rng.random() < P_GAIN)
    p['gain'] = float(rng.uniform(GAIN_RANGE[0], GAIN_RANGE[1]))
    p['do_pol'] = bool(rng.random() < P_POL)
    p['do_tmask'] = bool(rng.random() < P_TIME)
    tmasks = []
    for _ in range(NUM_TIME_MASKS):
        w = int(rng.integers(1, min(TIME_MASK_PARAM, T)))
        s = int(rng.integers(0, max(T - w, 1)))
        tmasks.append((s, w))
    p['tmasks'] = tmasks
    p['do_fmask'] = bool(rng.random() < P_FREQ)
    fmasks = []
    for _ in range(NUM_FREQ_MASKS):
        w = int(rng.integers(1, min(FREQ_MASK_PARAM, F)))
        s = int(rng.integers(0, max(F - w, 1)))
        fmasks.append((s, w))
    p['fmasks'] = fmasks
    return p


def _forward(waveform, spectrogram, p, L):
    aug_w = waveform
    if p['do_speed']:
        new_length = int(L / p['factor'])
        indices = jnp.linspace(0.0, L - 1, new_length)
        ifl = jnp.floor(indices).astype(jnp.int32)
        icl = jnp.minimum(jnp.ceil(indices).astype(jnp.int32), L - 1)
        alpha = indices - ifl.astype(jnp.float32)
        interp = aug_w[:, ifl] * (1.0 - alpha) + aug_w[:, icl] * alpha
        if interp.shape[-1] < L:
            interp = jnp.pad(interp, ((0, 0), (0, L - interp.shape[-1])))
        elif interp.shape[-1] > L:
            interp = interp[:, :L]
        aug_w = interp
    if p['do_noise']:
        snr = 10.0 ** (p['snr_db'] / 10.0)
        sig_p = jnp.mean(aug_w ** 2, axis=-1, keepdims=True)
        nstd = jnp.sqrt(sig_p / snr)
        noise = jax.random.normal(jax.random.key(1234), aug_w.shape, dtype=aug_w.dtype) * nstd
        aug_w = aug_w + noise
    if p['do_gain']:
        aug_w = aug_w * p['gain']
    if p['do_pol']:
        aug_w = -aug_w
    aug_s = spectrogram
    if p['do_tmask']:
        for s, w in p['tmasks']:
            aug_s = aug_s.at[:, :, s:s + w].set(0.0)
    if p['do_fmask']:
        for s, w in p['fmasks']:
            aug_s = aug_s.at[:, s:s + w, :].set(0.0)
    return aug_w, aug_s


def setup_inputs(seed: int = 0):
    key = jax.random.key(seed)
    k1, k2 = jax.random.split(key)
    waveform = jax.random.normal(k1, (32, 480000), dtype=jnp.float32)
    spectrogram = jax.random.normal(k2, (32, 80, 3000), dtype=jnp.float32)
    return {'waveform': waveform, 'spectrogram': spectrogram, 'sample_rate': 16000}


def reference(waveform, spectrogram, sample_rate=16000):
    L = waveform.shape[-1]
    B, F, T = spectrogram.shape
    p = _draw_params(L, F, T)
    return _forward(waveform, spectrogram, p, L)

if __name__ == "__main__":
    import jax
    _d = setup_inputs()
    print(jax.jit(kernel)(*tuple(_d.values())))

</pallas_src>

<mosaic_0001>
#map = affine_map<(d0, d1) -> (0, 0)>
module attributes {stable_mosaic.version = 14 : i64} {
  func.func @_sc_copy_body(%arg0: i32, %arg1: i32, %arg2: memref<2560x3000xf32, #tpu.memory_space<hbm>>, %arg3: memref<2560x3000xf32, #tpu.memory_space<hbm>>) attributes {dimension_semantics = [#tpu.dimension_semantics<core_parallel>, #tpu.dimension_semantics<subcore_parallel>], iteration_bounds = array<i64: 2, 16>, scalar_prefetch = 0 : i64, scratch_operands = 0 : i64, tpu.core_type = #tpu.core_type<sc_vector_subcore>, window_params = [{transform_indices = #map}, {transform_indices = #map}]} {
    %mul3A = arith.constant 2 : i32
    %mul3A_0 = arith.muli %arg1, %mul3A : i32
    %add3A = arith.addi %mul3A_0, %arg0 : i32
    %mul3A_1 = arith.constant 80 : i32
    %mul3A_2 = arith.muli %add3A, %mul3A_1 : i32
    "tpu.region"() ({
      %run_scoped3A = tpu.sem_alloc : memref<!tpu.dma_semaphore, #tpu.memory_space<semaphore_mem>>
      %dma_start3A = arith.constant 0 : i32
      %dma_start3A_3 = tpu.memref_slice %arg3[%mul3A_2, %dma_start3A] : memref<2560x3000xf32, #tpu.memory_space<hbm>> -> memref<80x3000xf32, #tpu.memory_space<hbm>>
      %dma_start3A_4 = arith.constant 0 : i32
      %dma_start3A_5 = tpu.memref_slice %arg2[%mul3A_2, %dma_start3A_4] : memref<2560x3000xf32, #tpu.memory_space<hbm>> -> memref<80x3000xf32, #tpu.memory_space<hbm>>
      tpu.enqueue_dma source(%dma_start3A_5 : memref<80x3000xf32, #tpu.memory_space<hbm>>) target(%dma_start3A_3 : memref<80x3000xf32, #tpu.memory_space<hbm>>) target_semaphore(%run_scoped3A : memref<!tpu.dma_semaphore, #tpu.memory_space<semaphore_mem>>)
      %dma_wait3A = arith.constant 0 : i32
      %dma_wait3A_6 = tpu.memref_slice %arg3[%mul3A_2, %dma_wait3A] : memref<2560x3000xf32, #tpu.memory_space<hbm>> -> memref<80x3000xf32, #tpu.memory_space<hbm>>
      %dma_wait3A_7 = arith.constant 0 : i32
      %dma_wait3A_8 = tpu.memref_slice %arg2[%mul3A_2, %dma_wait3A_7] : memref<2560x3000xf32, #tpu.memory_space<hbm>> -> memref<80x3000xf32, #tpu.memory_space<hbm>>
      tpu.wait_dma2 semaphore(%run_scoped3A : memref<!tpu.dma_semaphore, #tpu.memory_space<semaphore_mem>>) src(%dma_wait3A_8 : memref<80x3000xf32, #tpu.memory_space<hbm>>) dst(%dma_wait3A_6 : memref<80x3000xf32, #tpu.memory_space<hbm>>)
      tpu.yield
    }) : () -> ()
    return
  }
}

module attributes {stable_mosaic.version = 14 : i64} {
  func.func @_aug_body(%arg0: i32, %arg1: i32, %arg2: memref<8x96000xf32, #tpu.memory_space<vmem>>, %arg3: memref<8x96000xbf16, #tpu.memory_space<vmem>>, %arg4: memref<8x96000xf32, #tpu.memory_space<vmem>>, %arg5: memref<2x8x480000xf32, #tpu.memory_space<vmem>>, %arg6: memref<2x8x1xf32, #tpu.memory_space<vmem>>) attributes {dimension_semantics = [#tpu.dimension_semantics<arbitrary>, #tpu.dimension_semantics<arbitrary>], iteration_bounds = array<i64: 5, 5>, scalar_prefetch = 0 : i64, scratch_operands = 2 : i64, tpu.core_type = #tpu.core_type<tc>, window_params = [{transform_indices = @transform_0, window_bounds = array<i64: 8, 96000>}, {transform_indices = @transform_1, window_bounds = array<i64: 8, 96000>}, {transform_indices = @transform_2, window_bounds = array<i64: 8, 96000>}]} {
    %rem3A = arith.constant 2 : i32
    %rem3A_0 = arith.remsi %arg0, %rem3A : i32
    %add3A = arith.constant 1 : i32
    %add3A_1 = arith.addi %arg0, %add3A : i32
    %rem3A_2 = arith.constant 2 : i32
    %rem3A_3 = arith.remsi %add3A_1, %rem3A_2 : i32
    %lt3A = arith.constant 4 : i32
    %lt3A_4 = arith.cmpi slt, %arg0, %lt3A : i32
    %convert_element_type3A = arith.extui %lt3A_4 : i1 to i32
    %cond3A = arith.constant 0 : i32
    %cond3A_5 = arith.cmpi ne, %convert_element_type3A, %cond3A : i32
    scf.if %cond3A_5 {
      %eq3A = arith.constant 0 : i32
      %eq3A_10 = arith.cmpi eq, %arg1, %eq3A : i32
      %convert_element_type3A_11 = arith.extui %eq3A_10 : i1 to i32
      %cond3A_12 = arith.constant 0 : i32
      %cond3A_13 = arith.cmpi ne, %convert_element_type3A_11, %cond3A_12 : i32
      scf.if %cond3A_13 {
        %broadcast_in_dim3A_36 = arith.constant 0.000000e+00 : f32
        %broadcast_in_dim3A_37 = vector.broadcast %broadcast_in_dim3A_36 : f32 to vector<8x1xf32>
        %swap3A_38 = arith.index_cast %rem3A_0 : i32 to index
        %swap3A_39 = arith.constant 0 : index
        %swap3A_40 = arith.constant 0 : index
        %swap3A_41 = vector.load %arg6[%swap3A_38, %swap3A_39, %swap3A_40] : memref<2x8x1xf32, #tpu.memory_space<vmem>>, vector<1x8x1xf32>
        %swap3A_42 = vector.shape_cast %swap3A_41 : vector<1x8x1xf32> to vector<8x1xf32>
        %swap3A_43 = vector.shape_cast %broadcast_in_dim3A_37 : vector<8x1xf32> to vector<1x8x1xf32>
        tpu.vector_store %arg6[%swap3A_38, %swap3A_39, %swap3A_40], %swap3A_43 {strides = array<i32>} : memref<2x8x1xf32, #tpu.memory_space<vmem>>, vector<1x8x1xf32>,
      } else {
      }
      %get3A = arith.constant 0 : index
      %get3A_14 = arith.constant 0 : index
      %get3A_15 = vector.load %arg2[%get3A, %get3A_14] : memref<8x96000xf32, #tpu.memory_space<vmem>>, vector<8x96000xf32>
      %mul3A = arith.constant 96000 : i32
      %mul3A_16 = arith.muli %arg1, %mul3A : i32
      %swap3A = arith.index_cast %rem3A_0 : i32 to index
      %swap3A_17 = arith.constant 0 : index
      %swap3A_18 = arith.index_cast %mul3A_16 : i32 to index
      %swap3A_19 = vector.load %arg5[%swap3A, %swap3A_17, %swap3A_18] : memref<2x8x480000xf32, #tpu.memory_space<vmem>>, vector<1x8x96000xf32>
      %swap3A_20 = vector.shape_cast %swap3A_19 : vector<1x8x96000xf32> to vector<8x96000xf32>
      %swap3A_21 = vector.shape_cast %get3A_15 : vector<8x96000xf32> to vector<1x8x96000xf32>
      tpu.vector_store %arg5[%swap3A, %swap3A_17, %swap3A_18], %swap3A_21 {strides = array<i32>} : memref<2x8x480000xf32, #tpu.memory_space<vmem>>, vector<1x8x96000xf32>,
      %get3A_22 = arith.index_cast %rem3A_0 : i32 to index
      %get3A_23 = arith.constant 0 : index
      %get3A_24 = arith.constant 0 : index
      %get3A_25 = vector.load %arg6[%get3A_22, %get3A_23, %get3A_24] : memref<2x8x1xf32, #tpu.memory_space<vmem>>, vector<1x8x1xf32>
      %get3A_26 = vector.shape_cast %get3A_25 : vector<1x8x1xf32> to vector<8x1xf32>
      %mul3A_27 = arith.mulf %get3A_15, %get3A_15 : vector<8x96000xf32>
      %reduce_sum3A = arith.constant dense<0.000000e+00> : vector<8xf32>
      %reduce_sum3A_28 = vector.multi_reduction <add>, %mul3A_27, %reduce_sum3A [1] : vector<8x96000xf32> to vector<8xf32>
      %broadcast_in_dim3A = vector.shape_cast %reduce_sum3A_28 : vector<8xf32> to vector<8x1xf32>
      %add3A_29 = arith.addf %get3A_26, %broadcast_in_dim3A : vector<8x1xf32>
      %swap3A_30 = arith.index_cast %rem3A_0 : i32 to index
      %swap3A_31 = arith.constant 0 : index
      %swap3A_32 = arith.constant 0 : index
      %swap3A_33 = vector.load %arg6[%swap3A_30, %swap3A_31, %swap3A_32] : memref<2x8x1xf32, #tpu.memory_space<vmem>>, vector<1x8x1xf32>
      %swap3A_34 = vector.shape_cast %swap3A_33 : vector<1x8x1xf32> to vector<8x1xf32>
      %swap3A_35 = vector.shape_cast %add3A_29 : vector<8x1xf32> to vector<1x8x1xf32>
      tpu.vector_store %arg6[%swap3A_30, %swap3A_31, %swap3A_32], %swap3A_35 {strides = array<i32>} : memref<2x8x1xf32, #tpu.memory_space<vmem>>, vector<1x8x1xf32>,
    } else {
    }
    %gt3A = arith.constant 0 : i32
    %gt3A_6 = arith.cmpi sgt, %arg0, %gt3A : i32
    %convert_element_type3A_7 = arith.extui %gt3A_6 : i1 to i32
    %cond3A_8 = arith.constant 0 : i32
    %cond3A_9 = arith.cmpi ne, %convert_element_type3A_7, %cond3A_8 : i32
    scf.if %cond3A_9 {
      %get3A = arith.index_cast %rem3A_3 : i32 to index
      %get3A_10 = arith.constant 0 : index
      %get3A_11 = arith.constant 0 : index
      %get3A_12 = vector.load %arg6[%get3A, %get3A_10, %get3A_11] : memref<2x8x1xf32, #tpu.memory_space<vmem>>, vector<1x8x1xf32>
      %get3A_13 = vector.shape_cast %get3A_12 : vector<1x8x1xf32> to vector<8x1xf32>
      %sqrt3A = math.sqrt %get3A_13 : vector<8x1xf32>
      %mul3A = arith.constant 96000 : i32
      %mul3A_14 = arith.muli %arg1, %mul3A : i32
      %get3A_15 = arith.index_cast %rem3A_3 : i32 to index
      %get3A_16 = arith.constant 0 : index
      %get3A_17 = arith.index_cast %mul3A_14 : i32 to index
      %get3A_18 = vector.load %arg5[%get3A_15, %get3A_16, %get3A_17] : memref<2x8x480000xf32, #tpu.memory_space<vmem>>, vector<1x8x96000xf32>
      %get3A_19 = vector.shape_cast %get3A_18 : vector<1x8x96000xf32> to vector<8x96000xf32>
      %get3A_20 = arith.constant 0 : index
      %get3A_21 = arith.constant 0 : index
      %get3A_22 = vector.load %arg3[%get3A_20, %get3A_21] : memref<8x96000xbf16, #tpu.memory_space<vmem>>, vector<8x96000xbf16>
      %convert_element_type3A_23 = arith.extf %get3A_22 : vector<8x96000xbf16> to vector<8x96000xf32>
      %mul3A_24 = vector.broadcast %sqrt3A : vector<8x1xf32> to vector<8x96000xf32>
      %mul3A_25 = arith.mulf %convert_element_type3A_23, %mul3A_24 : vector<8x96000xf32>
      %add3A_26 = arith.addf %get3A_19, %mul3A_25 : vector<8x96000xf32>
      %swap3A = arith.constant 0 : index
      %swap3A_27 = arith.constant 0 : index
      %swap3A_28 = vector.load %arg4[%swap3A, %swap3A_27] : memref<8x96000xf32, #tpu.memory_space<vmem>>, vector<8x96000xf32>
      tpu.vector_store %arg4[%swap3A, %swap3A_27], %add3A_26 {strides = array<i32>} : memref<8x96000xf32, #tpu.memory_space<vmem>>, vector<8x96000xf32>,
    } else {
    }
    return
  }
  func.func @transform_0(%arg0: i32, %arg1: i32) -> (i32, i32) {
    %min3A = arith.constant 3 : i32
    %min3A_0 = arith.minsi %arg0, %min3A : i32
    %lt3A = arith.constant 4 : i32
    %lt3A_1 = arith.cmpi slt, %arg0, %lt3A : i32
    %jit3A = arith.constant 4 : i32
    %select_n3A = arith.select %lt3A_1, %arg1, %jit3A : i32
    %c0_i32 = arith.constant 0 : i32
    return %min3A_0, %select_n3A : i32, i32
  }
  func.func @transform_1(%arg0: i32, %arg1: i32) -> (i32, i32) {
    %sub3A = arith.constant 1 : i32
    %sub3A_0 = arith.subi %arg0, %sub3A : i32
    %max3A = arith.constant 0 : i32
    %max3A_1 = arith.maxsi %sub3A_0, %max3A : i32
    %gt3A = arith.constant 0 : i32
    %gt3A_2 = arith.cmpi sgt, %arg0, %gt3A : i32
    %jit3A = arith.constant 0 : i32
    %select_n3A = arith.select %gt3A_2, %arg1, %jit3A : i32
    %c0_i32 = arith.constant 0 : i32
    return %max3A_1, %select_n3A : i32, i32
  }
  func.func @transform_2(%arg0: i32, %arg1: i32) -> (i32, i32) {
    %sub3A = arith.constant 1 : i32
    %sub3A_0 = arith.subi %arg0, %sub3A : i32
    %max3A = arith.constant 0 : i32
    %max3A_1 = arith.maxsi %sub3A_0, %max3A : i32
    %gt3A = arith.constant 0 : i32
    %gt3A_2 = arith.cmpi sgt, %arg0, %gt3A : i32
    %jit3A = arith.constant 0 : i32
    %select_n3A = arith.select %gt3A_2, %arg1, %jit3A : i32
    %c0_i32 = arith.constant 0 : i32
    return %max3A_1, %select_n3A : i32, i32
  }
}

</mosaic_0001>

<sc_bundles>
// kernel: kernel.4.cloned.1.call-start
scs
__scs_entry_jumppad:
0x0: {  	(pc) =	sbr.rel $0x88, $3  }
0x1: {  	(tag) =	ssettag $0x0;
	lr =	simm.s32 $0x1  }
0x2: {  	[smem:$0x3F9F] =	sst lr;
	_ =	strace $0xD0000000  }
0x3: {  	_ = 	snop  }
0x4: {  	_ = 	snop  }
0x5: {  	_ = 	snop  }
0x6: {  	_ = 	snop  }
0x7: {  	_ = 	snop  }
__scs_overlays_trampoline_lowered:
0x8: {  	[smem:$0x3FAE] =	sst s0  }
0x9: {  	[smem:$0x3FAF] =	sst s1  }
0xa: {  	[smem:$0x3FB0] =	sst s2  }
0xb: {  	[smem:$0x3FB1] =	sst s3  }
0xc: {  	[smem:$0x3FB2] =	sst s4  }
0xd: {  	[smem:$0x3FB3] =	sst s5  }
0xe: {  	[smem:$0x3FB4] =	sst s6  }
0xf: {  	[smem:$0x3FB5] =	sst s7  }
0x10: {  	[smem:$0x3FB6] =	sst s8  }
0x11: {  	[smem:$0x3FB7] =	sst s9;
	s0 =	simm.s32 @!p0 $0x0  }
0x12: {  	s1 =	sld [smem:$0x3F9D];
	s0 =	simm.s32 @p0 $0x1  }
0x13: {  	[smem:$0x3FB8] =	sst s0;
	s0 =	simm.s32 @!p1 $0x0  }
0x14: {  	s2 =	sld [smem:$0x3F9C];
	s0 =	simm.s32 @p1 $0x1  }
0x15: {  	[smem:$0x3FB9] =	sst s0;
	s0 =	simm.s32 @!p2 $0x0  }
0x16: {  	s3 =	sld [smem:$0x3FDB];
	s0 =	simm.s32 @p2 $0x1  }
0x17: {  	s4 =	simm.s32 $0x1BF5;
	[smem:$0x3FBB] =	sst s0  }
0x18: {  	s0 =	sld [smem:$0x3F9E];
	_ =	swait.ge [sflag:s4], $0x0  }
0x19: {  	s7 =	sld [smem:$0x3F9F]  }
0x1a: {  	s8 =	sadd.s32 $0xFFFFE003, lr  }
0x1b: {  	s9 =	sadd.s32 $0xFFFFFEF7, lr;
	s5 =	simm.s32 $0xFFFFFFFF;
	p2 =	slt.u32 s8, $0xFFFFF086  }
0x1c: {  	p1 =	slt.u32 s9, $0xF7A;
	s5 =	simm.s32 @!p2 $0x0  }
0x1d: {  	s5 =	simm.s32 @p1 $0x1;
	p0 =	seq.s32 s7, s2  }
0x1e: {  	s7 =	smul.u32 @!p0 $0xF7A, s2;
	p2 =	seq.s32 @!p0 s5, $0x0  }
0x1f: {  	s9 =	smul.u32 $0xF7A, s1;
	s8 =	simm.s32 @!p0 $0x1BF5;
	p2 =	por !p2, p0  }
0x20: {  	[sflag:s8] =	ssyncset.s32 @!p0 $0xFFFFF086;
	s6 =	sadd.s32 @!p0 s3, s7;
	s7 =	simm.s32 @!p0 $0x108  }
0x21: {  	s3 =	sadd.s32 s3, s9;
	s6 =	sadd.s32 @!p0 $0x88, s6;
	s7 =	simm.s32 @p2 $0x1082  }
0x22: {  	[simem:s7], [sflag:s8] =	dma.local @!p0 [hbm:s6], $0xF7A  }
0x23: {  	s9 =	sor.u32 $0xD0000000, s2;
	s6 =	simm.s32 $0x108;
	_ =	swait.ge @!p0 [sflag:s8], $0x0  }
0x24: {  	s3 =	sadd.s32 $0x88, s3;
	s6 =	simm.s32 @!p1 $0x1082;
	[sflag:s4] =	ssyncset.s32 $0xFFFFF086  }
0x25: {  	[simem:s6], [sflag:s4] =	dma.local [hbm:s3], $0xF7A  }
0x26: {  	[smem:$0x3F9F] =	sst s1;
	(tag) =	ssettag s2;
	_ =	strace s9  }
0x27: {  	s1 =	sld [smem:$0x3FAF]  }
0x28: {  	s2 =	sld [smem:$0x3FB0]  }
0x29: {  	s4 =	sld [smem:$0x3FB2]  }
0x2a: {  	p0 =	seq.s32 s5, $0x0;
	s5 =	sld [smem:$0x3FB3]  }
0x2b: {  	s6 =	sld [smem:$0x3FB4]  }
0x2c: {  	s7 =	sld [smem:$0x3FB5]  }
0x2d: {  	s3 =	simm.s32 $0x108;
	s8 =	sld [smem:$0x3FB6]  }
0x2e: {  	s3 =	simm.s32 @!p0 $0x1082;
	s9 =	sld [smem:$0x3FB7]  }
0x2f: {  	lr =	sadd.s32 s0, s3;
	s0 =	sld [smem:$0x3FAE]  }
0x30: {  	s3 =	sld [smem:$0x3FB1]  }
0x31: {  	[smem:$0x3FBA] =	sst s10  }
0x32: {  	s10 =	sld [smem:$0x3FB8];
	_ =	sdelay $0x3  }
0x33: {  	p0 =	seq.s32 s10, $0x1;
	s10 =	sld [smem:$0x3FBA];
	_ =	sdelay $0x3  }
0x34: {  	[smem:$0x3FBA] =	sst s10  }
0x35: {  	s10 =	sld [smem:$0x3FB9];
	_ =	sdelay $0x3  }
0x36: {  	p1 =	seq.s32 s10, $0x1;
	s10 =	sld [smem:$0x3FBA];
	_ =	sdelay $0x3  }
0x37: {  	[smem:$0x3FBA] =	sst s10  }
0x38: {  	s10 =	sld [smem:$0x3FBB]  }
0x39: {  	_ = 	snop;
	(pc) =	sbr.ind lr, $3  }
0x3a: {  	_ = 	snop  }
0x3b: {  	_ = 	snop  }
0x3c: {  	p2 =	seq.s32 s10, $0x1;
	s10 =	sld [smem:$0x3FBA]  }
0x3d: {  	_ =	shalt  }
0x3e: {  	_ =	shalt  }
0x3f: {  	_ =	shalt  }
0x40: {  	_ =	shalt  }
0x41: {  	_ =	shalt  }
0x42: {  	_ =	shalt  }
0x43: {  	_ =	shalt  }
0x44: {  	_ =	shalt  }
0x45: {  	_ =	shalt  }
0x46: {  	_ =	shalt  }
0x47: {  	_ =	shalt  }
0x48: {  	_ =	shalt  }
0x49: {  	_ =	shalt  }
0x4a: {  	_ =	shalt  }
0x4b: {  	_ =	shalt  }
0x4c: {  	_ =	shalt  }
0x4d: {  	_ =	shalt  }
0x4e: {  	_ =	shalt  }
0x4f: {  	_ =	shalt  }
0x50: {  	_ =	shalt  }
0x51: {  	_ =	shalt  }
0x52: {  	_ =	shalt  }
0x53: {  	_ =	shalt  }
0x54: {  	_ =	shalt  }
0x55: {  	_ =	shalt  }
0x56: {  	_ =	shalt  }
0x57: {  	_ =	shalt  }
0x58: {  	_ =	shalt  }
0x59: {  	_ =	shalt  }
0x5a: {  	_ =	shalt  }
0x5b: {  	_ =	shalt  }
0x5c: {  	_ =	shalt  }
0x5d: {  	_ =	shalt  }
0x5e: {  	_ =	shalt  }
0x5f: {  	_ =	shalt  }
0x60: {  	_ =	shalt  }
0x61: {  	_ =	shalt  }
0x62: {  	_ =	shalt  }
0x63: {  	_ =	shalt  }
0x64: {  	_ =	shalt  }
0x65: {  	_ =	shalt  }
0x66: {  	_ =	shalt  }
0x67: {  	_ =	shalt  }
0x68: {  	_ =	shalt  }
0x69: {  	_ =	shalt  }
0x6a: {  	_ =	shalt  }
0x6b: {  	_ =	shalt  }
0x6c: {  	_ =	shalt  }
0x6d: {  	_ =	shalt  }
0x6e: {  	_ =	shalt  }
0x6f: {  	_ =	shalt  }
0x70: {  	_ =	shalt  }
0x71: {  	_ =	shalt  }
0x72: {  	_ =	shalt  }
0x73: {  	_ =	shalt  }
0x74: {  	_ =	shalt  }
0x75: {  	_ =	shalt  }
0x76: {  	_ =	shalt  }
0x77: {  	_ =	shalt  }
0x78: {  	_ =	shalt  }
0x79: {  	_ =	shalt  }
0x7a: {  	_ =	shalt  }
0x7b: {  	_ =	shalt  }
0x7c: {  	_ =	shalt  }
0x7d: {  	_ =	shalt  }
0x7e: {  	_ =	shalt  }
0x7f: {  	_ =	shalt  }
0x80: {  	_ =	shalt  }
0x81: {  	_ =	shalt  }
0x82: {  	_ =	shalt  }
0x83: {  	_ =	shalt  }
0x84: {  	_ =	shalt  }
0x85: {  	_ =	shalt  }
0x86: {  	_ =	shalt  }
0x87: {  	_ =	shalt  }
.Lfunc_end0:
.L_simem_size_0:
called_computation_lowered:
.L_overlay_start_0:
0x88: {  	s2 =	sld [smem:$0x3FD9]  }
0x89: {  	s3 =	sld [smem:$0x3FFE];
	_ =	sdelay $0x1  }
0x8a: {  	s1 =	srdreg.scid  }
0x8b: {  	s0 =	sand.u32 $0x1, s1  }
0x8c: {  	s15 =	sshll.u32 s0, $0xA;
	s2 =	sadd.s32 s3, s2  }
0x8d: {  	s2 =	sadd.s32 s2, s15  }
0x8e: {  	[smem:$0x3FC6] =	sst s2  }
0x8f: {  	_ = 	snop  }
0x90: {  	s2 =	sld [smem:$0x3FD0];
	_ =	sdelay $0x2  }
0x91: {  	s4 =	simm.s32 $0xA;
	s5 =	simm.s32 $0x10;
	s16 =	sld [smem:$0x3FC8]  }
0x92: {  	[smem:s5], [sflag:s4] =	dma.local [hbm:s2], $0x1  }
0x93: {  	_ =	swait.eq [sflag:s4], $0x1  }
0x94: {  	[sflag:s4] =	ssyncset.done $0x0  }
0x95: {  	[sflag:s4] =	ssyncadd.s32 $0xFFFFFFFF  }
0x96: {  	s17 =	sld [smem:$0x11];
	(tm) =	ssettm $0x1  }
0x97: {  	s18 =	sld [smem:$0x3FFB];
	_ =	sdelay $0x3  }
0x98: {  	_ =	strace s18  }
0x99: {  	s4 =	sld [smem:$0x3FFC];
	_ =	sdelay $0x3  }
0x9a: {  	_ =	strace s4  }
0x9b: {  	s4 =	sld [smem:$0x3FFD];
	_ =	sdelay $0x3  }
0x9c: {  	_ =	strace s4  }
0x9d: {  	_ =	strace $0x8FFFFFFF  }
0x9e: {  	s19 =	sld [smem:$0x3FDB];
	_ =	sdelay $0x1  }
0x9f: {  	s20 =	simm.s32 $_scs_section_size  }
0xa0: {  	s6 =	simm.s32 $_size__tile_overlayer_lowered;
	s7 =	simm.s32 $_tile_overlayer_lowered  }
0xa1: {  	s23 =	simm.s32 $0x1BFF;
	s22 =	sshll.u32 s7, $0x1;
	s4 =	sadd.s32 s20, s19  }
0xa2: {  	s8 =	simm.s32 $0x0;
	s21 =	sshll.u32 s6, $0x1;
	s6 =	sadd.s32 s22, s4  }
0xa3: {  	[timem:s8], [sflag:s23] =	dma.local [hbm:s6], s21  }
0xa4: {  	_ =	swait.ge [sflag:s23], s21  }
0xa5: {  	s5 =	ssub.s32 $0x0, s21;
	[sflag:s23] =	ssyncset.done $0x0  }
0xa6: {  	[sflag:s23] =	ssyncadd.s32 s5;
	_ =	sdelay $0x1  }
0xa7: {  	s24 =	simm.s32 $0x1B8B  }
0xa8: {  	_ =	swait.ge [sflag:s24], $0x1  }
0xa9: {  	[sflag:s24] =	ssyncset.done $0x0  }
0xaa: {  	s25 =	simm.s32 $0x1B8E;
	[sflag:s24] =	ssyncadd.s32 $0xFFFFFFFF  }
0xab: {  	s26 =	simm.s32 $execute0_lowered;
	[smem:$0x3FD2] =	sst s25  }
0xac: {  	s5 =	sshll.u32 s26, $0x1;
	_ =	strace $0x80000046;
	[dreg:$0x1] =	wrdreg $0xFFFFFFFF  }
0xad: {  	s28 =	simm.s32 $_size_execute0_lowered;
	s4 =	sadd.s32 s4, s5;
	[dreg:$0x0] =	wrdreg $0x0  }
0xae: {  	s5 =	sshll.u32 s28, $0x1;
	[dreg:$0x2] =	wrdreg s4  }
0xaf: {  	[dreg:$0x3] =	wrdreg s5  }
0xb0: {  	[dreg:$0x4] =	wrdreg $0xC0  }
0xb1: {  	_ =	task [dreg:s8], $0x5FFFF  }
0xb2: {  	[dreg:$0x1] =	wrdreg $0xFFFFFFFF  }
0xb3: {  	[dreg:$0x0] =	wrdreg $0x60  }
0xb4: {  	[dreg:$0x2] =	wrdreg s16  }
0xb5: {  	[dreg:$0x3] =	wrdreg s17  }
0xb6: {  	[dreg:$0x4] =	wrdreg $0x9  }
0xb7: {  	_ =	task.clear_ibuf [dreg:s8], $0x5FFFF;
	_ =	strace $0x90000046  }
0xb8: {  	s29 =	simm.s32 $0x9;
	_ =	strace $0x80000048  }
0xb9: {  	_ =	swait.ge [sflag:s29], $0x1  }
0xba: {  	[sflag:s29] =	ssyncadd.s32 $0xFFFFFFFF  }
0xbb: {  	_ =	strace $0x90000048  }
0xbc: {  	_ =	sfence  }
0xbd: {  	s30 =	sld [smem:$0x0];
	_ =	sdelay $0x2  }
0xbe: {  	s31 =	sshll.u32 s1, $0xD;
	s1 =	sshrl.u32 s1, $0x2  }
0xbf: {  	s3 =	sand.u32 $0x4000, s31;
	s1 =	sadd.s32 s1, s30  }
0xc0: {  	s0 =	sor.u32 s3, s0;
	s1 =	sshll.u32 s1, $0x11  }
0xc1: {  	s0 =	sor.u32 s1, s0  }
0xc2: {  	s0 =	sadd.s32 $0x8F2B, s0  }
0xc3: {  	[sflag:s0] =	ssyncadd.remote.s32 $0x1  }
0xc4: {  	_ =	sfence.sel $0xFFFF  }
0xc5: {  	[dreg:$0x0] =	wrdreg $0xFFFFFFFF;
	(pc) =	sbr.abs _section_cstart, $3  }
0xc6: {  	[dreg:$0x1] =	wrdreg $0xFFFFFFFF  }
0xc7: {  	_ =	task.clear_ibuf [dreg:s8], $0x2FFFF;
	_ =	strace $0x9FFFFFFF  }
0xc8: {  	(tm) =	ssettm $0x7FFFFFFF  }
0xc9: {  	_ =	shalt  }
tec
execute0_lowered:
.L_overlay_start_1:
0x0: {  	(tag) =	ssettag $0x1  }
0x1: {  	s4 =	srdreg.scid;
	s1 =	stileid.u32  }
0x2: {  	s4 =	sand.u32 $0x1, s4;
	s5 =	sshll.u32 s1, $0x1  }
0x3: {  	s2 =	rddreg [dreg:$0x0];
	s5 =	sor.u32 s4, s5;
	s4 =	ssub.s32 $0x2, s4  }
0x4: {  	s3 =	rddreg [dreg:$0x1];
	s6 =	simm.s32 $0x0;
	s30 =	sshrl.u32 s4, $0x1  }
0x5: {  	[smem:$0x7FF] =	sst s6;
	s6 =	ssub.s32 s4, s30  }
0x6: {  	s0 =	rddreg [dreg:$0x2];
	s6 =	smax.u32 s6, $0x1  }
0x7: {  	s31 =	sshll.u32 s1, $0x6;
	s5 =	smul.u32 $0x7800, s5;
	p0 =	sne.s32 s6, $0x1  }
.Ltmp0:
0x8: {  	_ =	strace $0x80000047;
	s4 =	sor.u32 $0x1C01, s31;
	(pc) =	sbr.rel @!p0 .LBB2_2-.Ltmp0, $4  }
0x9: {  	s2 =	sadd.s32 s2, s5;
	s3 =	sadd.s32 s3, s5;
	s5 =	simm.s32 $0x1  }
0xa: {  	[hbm:s3], [sflag:s4] =	dma.local [hbm:s2], $0x7800  }
0xb: {  	_ =	swait.ge [sflag:s5], $0x7800  }
0xc: {  	s6 =	sadd.s32 $0xFFFFFFFF, s6;
	[sflag:s5] =	ssyncset.done $0x0  }
.LBB2_1:
0xd: {  	p0 =	sne.s32 s6, $0x1;
	s6 =	sadd.s32 $0xFFFFFFFF, s6;
	[sflag:s5] =	ssyncadd.s32 $0xFFFF8800  }
.Ltmp1:
0xe: {  	(pc) =	sbr.rel @p0 .LBB2_1-.Ltmp1, $4  }
0xf: {  	_ = 	snop  }
0x10: {  	[hbm:s3], [sflag:s4] =	dma.local [hbm:s2], $0x7800  }
0x11: {  	_ =	swait.ge [sflag:s5], $0x7800  }
0x12: {  	[sflag:s5] =	ssyncset.done $0x0  }
.LBB2_2:
0x13: {  	[sflag:s5] =	ssyncadd.s32 $0xFFFF8800  }
0x14: {  	_ =	sfence.sel $0x180000  }
0x15: {  	[bflag:$0x0] =	sbarrier.arrive $0xFFFF  }
0x16: {  	p0 =	sne.s32 s1, $0x0;
	_ =	strace $0x90000047  }
0x17: {  	s0 =	sadd.s32 @!p0 $0x100000, s0;
	[bflag:$0x2] =	sbarrier.arrive $0xFFFF  }
0x18: {  	[sflag:s0] =	ssyncadd.tile.s32 @!p0 $0x1;
	_ =	shalt  }
.Lfunc_end2:
_tile_overlayer_lowered:
.L_overlay_start_2:
0x19: {  	(tag) =	ssettag $0x2  }
0x1a: {  	s0 =	rddreg [dreg:$0x0];
	s2 =	stileid.u32  }
0x1b: {  	s1 =	rddreg [dreg:$0x1];
	p0 =	sne.s32 s2, $0x0  }
0x1c: {  	s3 =	rddreg [dreg:$0x2];
	[bflag:$0x3] =	sbarrier.arrive $0xFFFF;
	s2 =	simm.s32 @!p0 $0x1C01  }
0x1d: {  	[timem:s3], [sflag:s2] =	dma.local @!p0 [hbm:s0], s1  }
0x1e: {  	s0 =	simm.s32 @!p0 $0x1  }
0x1f: {  	_ =	swait.ge @!p0 [sflag:s0], s1  }
0x20: {  	s1 =	ssub.s32 @!p0 $0x0, s1;
	[sflag:s0] =	ssyncset.done @!p0 $0x0  }
0x21: {  	[sflag:s0] =	ssyncadd.s32 @!p0 s1  }
0x22: {  	[bflag:$0x3] =	sbarrier.arrive $0xFFFF  }
0x23: {  	_ =	shalt  }

</sc_bundles>
